<compile_context>
chip_gen: v7x
topology: tpu7x:2x2x1
jax: 0.10.2.dev20260603
libtpu: 0.0.44.dev20260713+nightly
codegen_flags: <defaults>
</compile_context>

<pallas_src>
import functools

import jax
import jax.numpy as jnp
from jax import lax
from jax.experimental import pallas as pl
from jax.experimental.pallas import tpu as pltpu
from jax.experimental.pallas import tpu_sc as plsc

D_MODEL = 2048
N_EXP = 64
TOPK = 8
N_TOK = 8192
BLK = 1024

_INFO = plsc.get_sparse_core_info()
_NC = _INFO.num_cores
_NS = _INFO.num_subcores
NW = _NC * _NS
ROWS = N_TOK // NW


def _dense_body(x_ref, w_ref, logits_ref, scores_ref):
    x = x_ref[...]
    w = w_ref[...]
    logits = jax.lax.dot_general(
        x, w, (((1,), (1,)), ((), ())), preferred_element_type=jnp.float32
    )
    logits_ref[...] = logits
    m = jnp.max(logits, axis=-1, keepdims=True)
    e = jnp.exp(logits - m)
    scores_ref[...] = e / jnp.sum(e, axis=-1, keepdims=True)


def _dense(x, W):
    return pl.pallas_call(
        _dense_body,
        grid=(N_TOK // BLK,),
        in_specs=[
            pl.BlockSpec((BLK, D_MODEL), lambda i: (i, 0)),
            pl.BlockSpec((N_EXP, D_MODEL), lambda i: (0, 0)),
        ],
        out_specs=[
            pl.BlockSpec((BLK, N_EXP), lambda i: (i, 0)),
            pl.BlockSpec((BLK, N_EXP), lambda i: (i, 0)),
        ],
        out_shape=[
            jax.ShapeDtypeStruct((N_TOK, N_EXP), jnp.float32),
            jax.ShapeDtypeStruct((N_TOK, N_EXP), jnp.float32),
        ],
    )(x, W)


def _sc_body(scores_hbm, ew_hbm, ei_hbm, hist_hbm, blk_v, ew_v, ei_v, hist_v):
    wid = lax.axis_index("s") * _NC + lax.axis_index("c")
    base = wid * ROWS

    pltpu.sync_copy(scores_hbm.at[pl.ds(base * N_EXP, ROWS * N_EXP)], blk_v)

    iota = lax.iota(jnp.int32, 16)
    lane_mask = iota < TOPK
    ones = jnp.ones((16,), jnp.int32)
    for j in range(4):
        hist_v[pl.ds(16 * j, 16)] = jnp.zeros((16,), jnp.int32)

    def merge(ka, va, kb, vb):
        kr = lax.rev(kb, (0,))
        vr = lax.rev(vb, (0,))
        sel = ka >= kr
        return plsc.sort_key_val(
            jnp.where(sel, ka, kr), jnp.where(sel, va, vr), descending=True
        )

    @plsc.parallel_loop(0, ROWS, 1, unroll=4)
    def _row_loop(r):
        off = r * N_EXP
        ks, vs = [], []
        for j in range(4):
            k, v = plsc.sort_key_val(
                blk_v[pl.ds(off + 16 * j, 16)], iota + 16 * j, descending=True
            )
            ks.append(k)
            vs.append(v)
        k01, v01 = merge(ks[0], vs[0], ks[1], vs[1])
        k23, v23 = merge(ks[2], vs[2], ks[3], vs[3])
        kf, vf = merge(k01, v01, k23, v23)
        ew_v[pl.ds(r * 16, 16)] = kf
        ei_v[pl.ds(r * 16, 16)] = vf
        plsc.addupdate_scatter(hist_v, [vf], ones, mask=lane_mask)

    pltpu.sync_copy(ew_v, ew_hbm.at[pl.ds(base * 16, ROWS * 16)])
    pltpu.sync_copy(ei_v, ei_hbm.at[pl.ds(base * 16, ROWS * 16)])
    pltpu.sync_copy(hist_v, hist_hbm.at[pl.ds(wid * N_EXP, N_EXP)])


_sc_topk = functools.partial(
    pl.kernel,
    out_type=[
        jax.ShapeDtypeStruct((N_TOK * 16,), jnp.float32),
        jax.ShapeDtypeStruct((N_TOK * 16,), jnp.int32),
        jax.ShapeDtypeStruct((NW * N_EXP,), jnp.int32),
    ],
    mesh=plsc.VectorSubcoreMesh(core_axis_name="c", subcore_axis_name="s"),
    scratch_types=[
        pltpu.VMEM((ROWS * N_EXP,), jnp.float32),
        pltpu.VMEM((ROWS * 16,), jnp.float32),
        pltpu.VMEM((ROWS * 16,), jnp.int32),
        pltpu.VMEM((N_EXP,), jnp.int32),
    ],
    compiler_params=pltpu.CompilerParams(needs_layout_passes=False),
)(_sc_body)


def kernel(x, W):
    logits, scores = _dense(x, W)
    ew16, ei16, hist = _sc_topk(scores.reshape(-1))
    ew = ew16.reshape(N_TOK, 16)[:, :TOPK]
    ei = ei16.reshape(N_TOK, 16)[:, :TOPK]
    return logits, scores, ew, ei, hist.reshape(NW, N_EXP).sum(0)

# --- scband reference (transcript-rebuilt; emitter-appended) ---
"""Pipeline reference for scband-mo-erouter-v2-4595615007350 (READ-ONLY COPY).

The authoritative reference and input builder live on the scoring server;
editing this copy changes nothing except your own understanding.
"""

import jax, jax.numpy as jnp
import numpy as np

D_MODEL = 2048
NUM_EXPERTS = 64
TOP_K = 8
N_TOKENS = 8192


def setup_inputs(seed: int = 0) -> dict:
    key = jax.random.key(seed)
    k1, k2 = jax.random.split(key)
    x = jax.random.normal(k1, (N_TOKENS, D_MODEL), dtype=jnp.float32)
    # Router weight: trunc_normal(std=0.02, a=-3*0.02, b=3*0.02), stored flat in torch
    # as [num_experts * d_model]; viewed as [num_experts, d_model] for the gemm.
    W = 0.02 * jax.random.truncated_normal(k2, -3.0, 3.0, (NUM_EXPERTS, D_MODEL), dtype=jnp.float32)
    return {"x": x, "W": W}


def reference(x, W):
    # Router forward (eval mode: no jitter noise, no score bias since bias_gamma=None).
    # logits = x @ W^T  -> [N_TOKENS, NUM_EXPERTS]
    logits = jnp.dot(x, W.T)
    # softmax gating function in float32
    scores = jax.nn.softmax(logits.astype(jnp.float32), axis=-1)
    # top-k expert selection
    expert_weights, expert_indices = jax.lax.top_k(scores, TOP_K)
    # batch size per expert (histogram of assignments)
    batch_size_per_expert = jnp.bincount(expert_indices.reshape(-1), length=NUM_EXPERTS)
    return logits, scores, expert_weights, expert_indices, batch_size_per_expert

if __name__ == "__main__":
    import jax
    _d = setup_inputs()
    print(jax.jit(kernel)(*tuple(_d.values())))

</pallas_src>

<mosaic_0001>
#map = affine_map<(d0, d1) -> (0)>
module attributes {stable_mosaic.version = 14 : i64} {
  func.func @_sc_body(%arg0: i32, %arg1: i32, %arg2: memref<524288xf32, #tpu.memory_space<hbm>>, %arg3: memref<131072xf32, #tpu.memory_space<hbm>>, %arg4: memref<131072xi32, #tpu.memory_space<hbm>>, %arg5: memref<2048xi32, #tpu.memory_space<hbm>>, %arg6: memref<16384xf32, #tpu.memory_space<vmem>>, %arg7: memref<4096xf32, #tpu.memory_space<vmem>>, %arg8: memref<4096xi32, #tpu.memory_space<vmem>>, %arg9: memref<64xi32, #tpu.memory_space<vmem>>) attributes {dimension_semantics = [#tpu.dimension_semantics<core_parallel>, #tpu.dimension_semantics<subcore_parallel>], iteration_bounds = array<i64: 2, 16>, scalar_prefetch = 0 : i64, scratch_operands = 4 : i64, tpu.core_type = #tpu.core_type<sc_vector_subcore>, window_params = [{transform_indices = #map}, {transform_indices = #map}, {transform_indices = #map}, {transform_indices = #map}]} {
    %mul3A = arith.constant 2 : i32
    %mul3A_0 = arith.muli %arg1, %mul3A : i32
    %add3A = arith.addi %mul3A_0, %arg0 : i32
    %mul3A_1 = arith.constant 256 : i32
    %mul3A_2 = arith.muli %add3A, %mul3A_1 : i32
    %mul3A_3 = arith.constant 64 : i32
    %mul3A_4 = arith.muli %mul3A_2, %mul3A_3 : i32
    "tpu.region"() ({
      %run_scoped3A = tpu.sem_alloc : memref<!tpu.dma_semaphore, #tpu.memory_space<semaphore_mem>>
      %dma_start3A = tpu.memref_slice %arg2[%mul3A_4] : memref<524288xf32, #tpu.memory_space<hbm>> -> memref<16384xf32, #tpu.memory_space<hbm>>
      %dma_start3A_31 = tpu.memref_slice %arg2[%mul3A_4] : memref<524288xf32, #tpu.memory_space<hbm>> -> memref<16384xf32, #tpu.memory_space<hbm>>
      tpu.enqueue_dma source(%dma_start3A_31 : memref<16384xf32, #tpu.memory_space<hbm>>) target(%arg6 : memref<16384xf32, #tpu.memory_space<vmem>>) target_semaphore(%run_scoped3A : memref<!tpu.dma_semaphore, #tpu.memory_space<semaphore_mem>>)
      %dma_wait3A = tpu.memref_slice %arg2[%mul3A_4] : memref<524288xf32, #tpu.memory_space<hbm>> -> memref<16384xf32, #tpu.memory_space<hbm>>
      %dma_wait3A_32 = tpu.memref_slice %arg2[%mul3A_4] : memref<524288xf32, #tpu.memory_space<hbm>> -> memref<16384xf32, #tpu.memory_space<hbm>>
      tpu.wait_dma2 semaphore(%run_scoped3A : memref<!tpu.dma_semaphore, #tpu.memory_space<semaphore_mem>>) src(%dma_wait3A_32 : memref<16384xf32, #tpu.memory_space<hbm>>) dst(%arg6 : memref<16384xf32, #tpu.memory_space<vmem>>)
      tpu.yield
    }) : () -> ()
    %iota3A = tpu.iota {dimensions = array<i32: 0>} : vector<16xi32>
    %lt3A = arith.constant 8 : i32
    %lt3A_5 = vector.broadcast %lt3A : i32 to vector<16xi32>
    %lt3A_6 = arith.cmpi slt, %iota3A, %lt3A_5 : vector<16xi32>
    %broadcast_in_dim3A = arith.constant 1 : i32
    %broadcast_in_dim3A_7 = vector.broadcast %broadcast_in_dim3A : i32 to vector<16xi32>
    %broadcast_in_dim3A_8 = arith.constant 0 : i32
    %broadcast_in_dim3A_9 = vector.broadcast %broadcast_in_dim3A_8 : i32 to vector<16xi32>
    %swap3A = arith.constant 0 : index
    %swap3A_10 = tpu.vector_load %arg9[%swap3A] {strides = array<i32>} : memref<64xi32, #tpu.memory_space<vmem>>, vector<16xi32>,
    tpu.vector_store %arg9[%swap3A], %broadcast_in_dim3A_9 {strides = array<i32>} : memref<64xi32, #tpu.memory_space<vmem>>, vector<16xi32>,
    %broadcast_in_dim3A_11 = arith.constant 0 : i32
    %broadcast_in_dim3A_12 = vector.broadcast %broadcast_in_dim3A_11 : i32 to vector<16xi32>
    %swap3A_13 = arith.constant 16 : index
    %swap3A_14 = tpu.vector_load %arg9[%swap3A_13] {strides = array<i32>} : memref<64xi32, #tpu.memory_space<vmem>>, vector<16xi32>,
    tpu.vector_store %arg9[%swap3A_13], %broadcast_in_dim3A_12 {strides = array<i32>} : memref<64xi32, #tpu.memory_space<vmem>>, vector<16xi32>,
    %broadcast_in_dim3A_15 = arith.constant 0 : i32
    %broadcast_in_dim3A_16 = vector.broadcast %broadcast_in_dim3A_15 : i32 to vector<16xi32>
    %swap3A_17 = arith.constant 32 : index
    %swap3A_18 = tpu.vector_load %arg9[%swap3A_17] {strides = array<i32>} : memref<64xi32, #tpu.memory_space<vmem>>, vector<16xi32>,
    tpu.vector_store %arg9[%swap3A_17], %broadcast_in_dim3A_16 {strides = array<i32>} : memref<64xi32, #tpu.memory_space<vmem>>, vector<16xi32>,
    %broadcast_in_dim3A_19 = arith.constant 0 : i32
    %broadcast_in_dim3A_20 = vector.broadcast %broadcast_in_dim3A_19 : i32 to vector<16xi32>
    %swap3A_21 = arith.constant 48 : index
    %swap3A_22 = tpu.vector_load %arg9[%swap3A_21] {strides = array<i32>} : memref<64xi32, #tpu.memory_space<vmem>>, vector<16xi32>,
    tpu.vector_store %arg9[%swap3A_21], %broadcast_in_dim3A_20 {strides = array<i32>} : memref<64xi32, #tpu.memory_space<vmem>>, vector<16xi32>,
    %parallel_loop3A = arith.constant 0 : i32
    %parallel_loop3A_23 = arith.constant 256 : i32
    %parallel_loop3A_24 = arith.constant 1 : i32
    scf.for %parallel_loop3A_31 = %parallel_loop3A to %parallel_loop3A_23 step %parallel_loop3A_24  : i32 {
      %parallel_loop3A_32 = arith.constant 64 : i32
      %parallel_loop3A_33 = arith.muli %parallel_loop3A_31, %parallel_loop3A_32 : i32
      %parallel_loop3A_34 = arith.constant 0 : i32
      %parallel_loop3A_35 = arith.addi %parallel_loop3A_33, %parallel_loop3A_34 : i32
      %parallel_loop3A_36 = arith.index_cast %parallel_loop3A_35 : i32 to index
      %parallel_loop3A_37 = tpu.vector_load %arg6[%parallel_loop3A_36] {strides = array<i32>} : memref<16384xf32, #tpu.memory_space<vmem>>, vector<16xf32>,
      %parallel_loop3A_38 = arith.constant 0 : i32
      %parallel_loop3A_39 = vector.broadcast %parallel_loop3A_38 : i32 to vector<16xi32>
      %parallel_loop3A_40 = arith.addi %iota3A, %parallel_loop3A_39 : vector<16xi32>
      %parallel_loop3A_41 = arith.constant dense<true> : vector<16xi1>
      %parallel_loop3A_42, %parallel_loop3A_43, %parallel_loop3A_44 = tpu.sort %parallel_loop3A_37, %parallel_loop3A_40 masked %parallel_loop3A_41 {descending = true} : (vector<16xf32>, vector<16xi32>, vector<16xi1>) -> (vector<16xi1>, vector<16xf32>, vector<16xi32>)
      %parallel_loop3A_45 = arith.constant 16 : i32
      %parallel_loop3A_46 = arith.addi %parallel_loop3A_33, %parallel_loop3A_45 : i32
      %parallel_loop3A_47 = arith.index_cast %parallel_loop3A_46 : i32 to index
      %parallel_loop3A_48 = tpu.vector_load %arg6[%parallel_loop3A_47] {strides = array<i32>} : memref<16384xf32, #tpu.memory_space<vmem>>, vector<16xf32>,
      %parallel_loop3A_49 = arith.constant 16 : i32
      %parallel_loop3A_50 = vector.broadcast %parallel_loop3A_49 : i32 to vector<16xi32>
      %parallel_loop3A_51 = arith.addi %iota3A, %parallel_loop3A_50 : vector<16xi32>
      %parallel_loop3A_52 = arith.constant dense<true> : vector<16xi1>
      %parallel_loop3A_53, %parallel_loop3A_54, %parallel_loop3A_55 = tpu.sort %parallel_loop3A_48, %parallel_loop3A_51 masked %parallel_loop3A_52 {descending = true} : (vector<16xf32>, vector<16xi32>, vector<16xi1>) -> (vector<16xi1>, vector<16xf32>, vector<16xi32>)
      %parallel_loop3A_56 = arith.constant 32 : i32
      %parallel_loop3A_57 = arith.addi %parallel_loop3A_33, %parallel_loop3A_56 : i32
      %parallel_loop3A_58 = arith.index_cast %parallel_loop3A_57 : i32 to index
      %parallel_loop3A_59 = tpu.vector_load %arg6[%parallel_loop3A_58] {strides = array<i32>} : memref<16384xf32, #tpu.memory_space<vmem>>, vector<16xf32>,
      %parallel_loop3A_60 = arith.constant 32 : i32
      %parallel_loop3A_61 = vector.broadcast %parallel_loop3A_60 : i32 to vector<16xi32>
      %parallel_loop3A_62 = arith.addi %iota3A, %parallel_loop3A_61 : vector<16xi32>
      %parallel_loop3A_63 = arith.constant dense<true> : vector<16xi1>
      %parallel_loop3A_64, %parallel_loop3A_65, %parallel_loop3A_66 = tpu.sort %parallel_loop3A_59, %parallel_loop3A_62 masked %parallel_loop3A_63 {descending = true} : (vector<16xf32>, vector<16xi32>, vector<16xi1>) -> (vector<16xi1>, vector<16xf32>, vector<16xi32>)
      %parallel_loop3A_67 = arith.constant 48 : i32
      %parallel_loop3A_68 = arith.addi %parallel_loop3A_33, %parallel_loop3A_67 : i32
      %parallel_loop3A_69 = arith.index_cast %parallel_loop3A_68 : i32 to index
      %parallel_loop3A_70 = tpu.vector_load %arg6[%parallel_loop3A_69] {strides = array<i32>} : memref<16384xf32, #tpu.memory_space<vmem>>, vector<16xf32>,
      %parallel_loop3A_71 = arith.constant 48 : i32
      %parallel_loop3A_72 = vector.broadcast %parallel_loop3A_71 : i32 to vector<16xi32>
      %parallel_loop3A_73 = arith.addi %iota3A, %parallel_loop3A_72 : vector<16xi32>
      %parallel_loop3A_74 = arith.constant dense<true> : vector<16xi1>
      %parallel_loop3A_75, %parallel_loop3A_76, %parallel_loop3A_77 = tpu.sort %parallel_loop3A_70, %parallel_loop3A_73 masked %parallel_loop3A_74 {descending = true} : (vector<16xf32>, vector<16xi32>, vector<16xi1>) -> (vector<16xi1>, vector<16xf32>, vector<16xi32>)
      %parallel_loop3A_78 = arith.constant 15 : i32
      %parallel_loop3A_79 = vector.broadcast %parallel_loop3A_78 : i32 to vector<16xi32>
      %parallel_loop3A_80 = tpu.iota {dimensions = array<i32: 0>} : vector<16xi32>
      %parallel_loop3A_81 = arith.subi %parallel_loop3A_79, %parallel_loop3A_80 : vector<16xi32>
      %parallel_loop3A_82 = tpu.dynamic_gather %parallel_loop3A_54[%parallel_loop3A_81] in [0] : vector<16xf32>, vector<16xi32> -> vector<16xf32>
      %parallel_loop3A_83 = arith.constant 15 : i32
      %parallel_loop3A_84 = vector.broadcast %parallel_loop3A_83 : i32 to vector<16xi32>
      %parallel_loop3A_85 = tpu.iota {dimensions = array<i32: 0>} : vector<16xi32>
      %parallel_loop3A_86 = arith.subi %parallel_loop3A_84, %parallel_loop3A_85 : vector<16xi32>
      %parallel_loop3A_87 = tpu.dynamic_gather %parallel_loop3A_55[%parallel_loop3A_86] in [0] : vector<16xi32>, vector<16xi32> -> vector<16xi32>
      %parallel_loop3A_88 = arith.cmpf oge, %parallel_loop3A_43, %parallel_loop3A_82 : vector<16xf32>
      %parallel_loop3A_89 = arith.select %parallel_loop3A_88, %parallel_loop3A_43, %parallel_loop3A_82 : vector<16xi1>, vector<16xf32>
      %parallel_loop3A_90 = arith.select %parallel_loop3A_88, %parallel_loop3A_44, %parallel_loop3A_87 : vector<16xi1>, vector<16xi32>
      %parallel_loop3A_91 = arith.constant dense<true> : vector<16xi1>
      %parallel_loop3A_92, %parallel_loop3A_93, %parallel_loop3A_94 = tpu.sort %parallel_loop3A_89, %parallel_loop3A_90 masked %parallel_loop3A_91 {descending = true} : (vector<16xf32>, vector<16xi32>, vector<16xi1>) -> (vector<16xi1>, vector<16xf32>, vector<16xi32>)
      %parallel_loop3A_95 = arith.constant 15 : i32
      %parallel_loop3A_96 = vector.broadcast %parallel_loop3A_95 : i32 to vector<16xi32>
      %parallel_loop3A_97 = tpu.iota {dimensions = array<i32: 0>} : vector<16xi32>
      %parallel_loop3A_98 = arith.subi %parallel_loop3A_96, %parallel_loop3A_97 : vector<16xi32>
      %parallel_loop3A_99 = tpu.dynamic_gather %parallel_loop3A_76[%parallel_loop3A_98] in [0] : vector<16xf32>, vector<16xi32> -> vector<16xf32>
      %parallel_loop3A_100 = arith.constant 15 : i32
      %parallel_loop3A_101 = vector.broadcast %parallel_loop3A_100 : i32 to vector<16xi32>
      %parallel_loop3A_102 = tpu.iota {dimensions = array<i32: 0>} : vector<16xi32>
      %parallel_loop3A_103 = arith.subi %parallel_loop3A_101, %parallel_loop3A_102 : vector<16xi32>
      %parallel_loop3A_104 = tpu.dynamic_gather %parallel_loop3A_77[%parallel_loop3A_103] in [0] : vector<16xi32>, vector<16xi32> -> vector<16xi32>
      %parallel_loop3A_105 = arith.cmpf oge, %parallel_loop3A_65, %parallel_loop3A_99 : vector<16xf32>
      %parallel_loop3A_106 = arith.select %parallel_loop3A_105, %parallel_loop3A_65, %parallel_loop3A_99 : vector<16xi1>, vector<16xf32>
      %parallel_loop3A_107 = arith.select %parallel_loop3A_105, %parallel_loop3A_66, %parallel_loop3A_104 : vector<16xi1>, vector<16xi32>
      %parallel_loop3A_108 = arith.constant dense<true> : vector<16xi1>
      %parallel_loop3A_109, %parallel_loop3A_110, %parallel_loop3A_111 = tpu.sort %parallel_loop3A_106, %parallel_loop3A_107 masked %parallel_loop3A_108 {descending = true} : (vector<16xf32>, vector<16xi32>, vector<16xi1>) -> (vector<16xi1>, vector<16xf32>, vector<16xi32>)
      %parallel_loop3A_112 = arith.constant 15 : i32
      %parallel_loop3A_113 = vector.broadcast %parallel_loop3A_112 : i32 to vector<16xi32>
      %parallel_loop3A_114 = tpu.iota {dimensions = array<i32: 0>} : vector<16xi32>
      %parallel_loop3A_115 = arith.subi %parallel_loop3A_113, %parallel_loop3A_114 : vector<16xi32>
      %parallel_loop3A_116 = tpu.dynamic_gather %parallel_loop3A_110[%parallel_loop3A_115] in [0] : vector<16xf32>, vector<16xi32> -> vector<16xf32>
      %parallel_loop3A_117 = arith.constant 15 : i32
      %parallel_loop3A_118 = vector.broadcast %parallel_loop3A_117 : i32 to vector<16xi32>
      %parallel_loop3A_119 = tpu.iota {dimensions = array<i32: 0>} : vector<16xi32>
      %parallel_loop3A_120 = arith.subi %parallel_loop3A_118, %parallel_loop3A_119 : vector<16xi32>
      %parallel_loop3A_121 = tpu.dynamic_gather %parallel_loop3A_111[%parallel_loop3A_120] in [0] : vector<16xi32>, vector<16xi32> -> vector<16xi32>
      %parallel_loop3A_122 = arith.cmpf oge, %parallel_loop3A_93, %parallel_loop3A_116 : vector<16xf32>
      %parallel_loop3A_123 = arith.select %parallel_loop3A_122, %parallel_loop3A_93, %parallel_loop3A_116 : vector<16xi1>, vector<16xf32>
      %parallel_loop3A_124 = arith.select %parallel_loop3A_122, %parallel_loop3A_94, %parallel_loop3A_121 : vector<16xi1>, vector<16xi32>
      %parallel_loop3A_125 = arith.constant dense<true> : vector<16xi1>
      %parallel_loop3A_126, %parallel_loop3A_127, %parallel_loop3A_128 = tpu.sort %parallel_loop3A_123, %parallel_loop3A_124 masked %parallel_loop3A_125 {descending = true} : (vector<16xf32>, vector<16xi32>, vector<16xi1>) -> (vector<16xi1>, vector<16xf32>, vector<16xi32>)
      %parallel_loop3A_129 = arith.constant 16 : i32
      %parallel_loop3A_130 = arith.muli %parallel_loop3A_31, %parallel_loop3A_129 : i32
      %parallel_loop3A_131 = arith.index_cast %parallel_loop3A_130 : i32 to index
      %parallel_loop3A_132 = tpu.vector_load %arg7[%parallel_loop3A_131] {strides = array<i32>} : memref<4096xf32, #tpu.memory_space<vmem>>, vector<16xf32>,
      tpu.vector_store %arg7[%parallel_loop3A_131], %parallel_loop3A_127 {strides = array<i32>} : memref<4096xf32, #tpu.memory_space<vmem>>, vector<16xf32>,
      %parallel_loop3A_133 = arith.constant 16 : i32
      %parallel_loop3A_134 = arith.muli %parallel_loop3A_31, %parallel_loop3A_133 : i32
      %parallel_loop3A_135 = arith.index_cast %parallel_loop3A_134 : i32 to index
      %parallel_loop3A_136 = tpu.vector_load %arg8[%parallel_loop3A_135] {strides = array<i32>} : memref<4096xi32, #tpu.memory_space<vmem>>, vector<16xi32>,
      tpu.vector_store %arg8[%parallel_loop3A_135], %parallel_loop3A_128 {strides = array<i32>} : memref<4096xi32, #tpu.memory_space<vmem>>, vector<16xi32>,
      tpu.vector_store_idx %arg9[%parallel_loop3A_128], %broadcast_in_dim3A_7 masked %lt3A_6 {add = true} : memref<64xi32, #tpu.memory_space<vmem>>[vector<16xi32>], vector<16xi32>, vector<16xi1>
    } {sc.loop_unroll_factor = 4 : i64, sc.parallel_access}
    %mul3A_25 = arith.constant 16 : i32
    %mul3A_26 = arith.muli %mul3A_2, %mul3A_25 : i32
    "tpu.region"() ({
      %run_scoped3A = tpu.sem_alloc : memref<!tpu.dma_semaphore, #tpu.memory_space<semaphore_mem>>
      %dma_start3A = tpu.memref_slice %arg3[%mul3A_26] : memref<131072xf32, #tpu.memory_space<hbm>> -> memref<4096xf32, #tpu.memory_space<hbm>>
      %dma_start3A_31 = tpu.memref_slice %arg3[%mul3A_26] : memref<131072xf32, #tpu.memory_space<hbm>> -> memref<4096xf32, #tpu.memory_space<hbm>>
      tpu.enqueue_dma source(%arg7 : memref<4096xf32, #tpu.memory_space<vmem>>) target(%dma_start3A_31 : memref<4096xf32, #tpu.memory_space<hbm>>) target_semaphore(%run_scoped3A : memref<!tpu.dma_semaphore, #tpu.memory_space<semaphore_mem>>)
      %dma_wait3A = tpu.memref_slice %arg3[%mul3A_26] : memref<131072xf32, #tpu.memory_space<hbm>> -> memref<4096xf32, #tpu.memory_space<hbm>>
      %dma_wait3A_32 = tpu.memref_slice %arg3[%mul3A_26] : memref<131072xf32, #tpu.memory_space<hbm>> -> memref<4096xf32, #tpu.memory_space<hbm>>
      tpu.wait_dma2 semaphore(%run_scoped3A : memref<!tpu.dma_semaphore, #tpu.memory_space<semaphore_mem>>) src(%arg7 : memref<4096xf32, #tpu.memory_space<vmem>>) dst(%dma_wait3A_32 : memref<4096xf32, #tpu.memory_space<hbm>>)
      tpu.yield
    }) : () -> ()
    %mul3A_27 = arith.constant 16 : i32
    %mul3A_28 = arith.muli %mul3A_2, %mul3A_27 : i32
    "tpu.region"() ({
      %run_scoped3A = tpu.sem_alloc : memref<!tpu.dma_semaphore, #tpu.memory_space<semaphore_mem>>
      %dma_start3A = tpu.memref_slice %arg4[%mul3A_28] : memref<131072xi32, #tpu.memory_space<hbm>> -> memref<4096xi32, #tpu.memory_space<hbm>>
      %dma_start3A_31 = tpu.memref_slice %arg4[%mul3A_28] : memref<131072xi32, #tpu.memory_space<hbm>> -> memref<4096xi32, #tpu.memory_space<hbm>>
      tpu.enqueue_dma source(%arg8 : memref<4096xi32, #tpu.memory_space<vmem>>) target(%dma_start3A_31 : memref<4096xi32, #tpu.memory_space<hbm>>) target_semaphore(%run_scoped3A : memref<!tpu.dma_semaphore, #tpu.memory_space<semaphore_mem>>)
      %dma_wait3A = tpu.memref_slice %arg4[%mul3A_28] : memref<131072xi32, #tpu.memory_space<hbm>> -> memref<4096xi32, #tpu.memory_space<hbm>>
      %dma_wait3A_32 = tpu.memref_slice %arg4[%mul3A_28] : memref<131072xi32, #tpu.memory_space<hbm>> -> memref<4096xi32, #tpu.memory_space<hbm>>
      tpu.wait_dma2 semaphore(%run_scoped3A : memref<!tpu.dma_semaphore, #tpu.memory_space<semaphore_mem>>) src(%arg8 : memref<4096xi32, #tpu.memory_space<vmem>>) dst(%dma_wait3A_32 : memref<4096xi32, #tpu.memory_space<hbm>>)
      tpu.yield
    }) : () -> ()
    %mul3A_29 = arith.constant 64 : i32
    %mul3A_30 = arith.muli %add3A, %mul3A_29 : i32
    "tpu.region"() ({
      %run_scoped3A = tpu.sem_alloc : memref<!tpu.dma_semaphore, #tpu.memory_space<semaphore_mem>>
      %dma_start3A = tpu.memref_slice %arg5[%mul3A_30] : memref<2048xi32, #tpu.memory_space<hbm>> -> memref<64xi32, #tpu.memory_space<hbm>>
      %dma_start3A_31 = tpu.memref_slice %arg5[%mul3A_30] : memref<2048xi32, #tpu.memory_space<hbm>> -> memref<64xi32, #tpu.memory_space<hbm>>
      tpu.enqueue_dma source(%arg9 : memref<64xi32, #tpu.memory_space<vmem>>) target(%dma_start3A_31 : memref<64xi32, #tpu.memory_space<hbm>>) target_semaphore(%run_scoped3A : memref<!tpu.dma_semaphore, #tpu.memory_space<semaphore_mem>>)
      %dma_wait3A = tpu.memref_slice %arg5[%mul3A_30] : memref<2048xi32, #tpu.memory_space<hbm>> -> memref<64xi32, #tpu.memory_space<hbm>>
      %dma_wait3A_32 = tpu.memref_slice %arg5[%mul3A_30] : memref<2048xi32, #tpu.memory_space<hbm>> -> memref<64xi32, #tpu.memory_space<hbm>>
      tpu.wait_dma2 semaphore(%run_scoped3A : memref<!tpu.dma_semaphore, #tpu.memory_space<semaphore_mem>>) src(%arg9 : memref<64xi32, #tpu.memory_space<vmem>>) dst(%dma_wait3A_32 : memref<64xi32, #tpu.memory_space<hbm>>)
      tpu.yield
    }) : () -> ()
    return
  }
}

module attributes {stable_mosaic.version = 14 : i64} {
  func.func @_dense_body(%arg0: i32, %arg1: memref<1024x2048xf32, #tpu.memory_space<vmem>>, %arg2: memref<64x2048xf32, #tpu.memory_space<vmem>>, %arg3: memref<1024x64xf32, #tpu.memory_space<vmem>>, %arg4: memref<1024x64xf32, #tpu.memory_space<vmem>>) attributes {dimension_semantics = [#tpu.dimension_semantics<arbitrary>], iteration_bounds = array<i64: 8>, scalar_prefetch = 0 : i64, scratch_operands = 0 : i64, tpu.core_type = #tpu.core_type<tc>, window_params = [{transform_indices = @transform_0, window_bounds = array<i64: 1024, 2048>}, {pipeline_mode = #tpu.pipeline_mode<synchronous>, transform_indices = @transform_1, window_bounds = array<i64: 64, 2048>}, {transform_indices = @transform_2, window_bounds = array<i64: 1024, 64>}, {transform_indices = @transform_3, window_bounds = array<i64: 1024, 64>}]} {
    %get3A = arith.constant 0 : index
    %get3A_0 = arith.constant 0 : index
    %get3A_1 = vector.load %arg1[%get3A, %get3A_0] : memref<1024x2048xf32, #tpu.memory_space<vmem>>, vector<1024x2048xf32>
    %get3A_2 = arith.constant 0 : index
    %get3A_3 = arith.constant 0 : index
    %get3A_4 = vector.load %arg2[%get3A_2, %get3A_3] : memref<64x2048xf32, #tpu.memory_space<vmem>>, vector<64x2048xf32>
    %dot_general3A = arith.constant dense<0.000000e+00> : vector<1024x64xf32>
    %dot_general3A_5 = tpu.matmul %get3A_1, %get3A_4, %dot_general3A {dimension_numbers = #tpu.dot_dimension_numbers<[1], [1], [0], [0], [0, 0, 1, 0], [], []>, transpose_lhs_hint = false} : vector<1024x2048xf32>, vector<64x2048xf32>, vector<1024x64xf32> -> vector<1024x64xf32>
    %swap3A = arith.constant 0 : index
    %swap3A_6 = arith.constant 0 : index
    %swap3A_7 = vector.load %arg3[%swap3A, %swap3A_6] : memref<1024x64xf32, #tpu.memory_space<vmem>>, vector<1024x64xf32>
    tpu.vector_store %arg3[%swap3A, %swap3A_6], %dot_general3A_5 {strides = array<i32>} : memref<1024x64xf32, #tpu.memory_space<vmem>>, vector<1024x64xf32>,
    %reduce_max3A = arith.constant dense<0xFF800000> : vector<1024xf32>
    %reduce_max3A_8 = vector.multi_reduction <maximumf>, %dot_general3A_5, %reduce_max3A [1] : vector<1024x64xf32> to vector<1024xf32>
    %broadcast_in_dim3A = vector.shape_cast %reduce_max3A_8 : vector<1024xf32> to vector<1024x1xf32>
    %sub3A = vector.broadcast %broadcast_in_dim3A : vector<1024x1xf32> to vector<1024x64xf32>
    %sub3A_9 = arith.subf %dot_general3A_5, %sub3A : vector<1024x64xf32>
    %exp3A = math.exp %sub3A_9 : vector<1024x64xf32>
    %reduce_sum3A = arith.constant dense<0.000000e+00> : vector<1024xf32>
    %reduce_sum3A_10 = vector.multi_reduction <add>, %exp3A, %reduce_sum3A [1] : vector<1024x64xf32> to vector<1024xf32>
    %broadcast_in_dim3A_11 = vector.shape_cast %reduce_sum3A_10 : vector<1024xf32> to vector<1024x1xf32>
    %div3A = vector.broadcast %broadcast_in_dim3A_11 : vector<1024x1xf32> to vector<1024x64xf32>
    %div3A_12 = arith.divf %exp3A, %div3A : vector<1024x64xf32>
    %swap3A_13 = arith.constant 0 : index
    %swap3A_14 = arith.constant 0 : index
    %swap3A_15 = vector.load %arg4[%swap3A_13, %swap3A_14] : memref<1024x64xf32, #tpu.memory_space<vmem>>, vector<1024x64xf32>
    tpu.vector_store %arg4[%swap3A_13, %swap3A_14], %div3A_12 {strides = array<i32>} : memref<1024x64xf32, #tpu.memory_space<vmem>>, vector<1024x64xf32>,
    return
  }
  func.func @transform_0(%arg0: i32) -> (i32, i32) {
    %c0_i32 = arith.constant 0 : i32
    %c0_i32_0 = arith.constant 0 : i32
    return %arg0, %c0_i32 : i32, i32
  }
  func.func @transform_1(%arg0: i32) -> (i32, i32) {
    %c0_i32 = arith.constant 0 : i32
    %c0_i32_0 = arith.constant 0 : i32
    %c0_i32_1 = arith.constant 0 : i32
    return %c0_i32, %c0_i32_0 : i32, i32
  }
  func.func @transform_2(%arg0: i32) -> (i32, i32) {
    %c0_i32 = arith.constant 0 : i32
    %c0_i32_0 = arith.constant 0 : i32
    return %arg0, %c0_i32 : i32, i32
  }
  func.func @transform_3(%arg0: i32) -> (i32, i32) {
    %c0_i32 = arith.constant 0 : i32
    %c0_i32_0 = arith.constant 0 : i32
    return %arg0, %c0_i32 : i32, i32
  }
}

</mosaic_0001>

<sc_bundles>
// kernel: kernel.4.cloned.1.call-start
scs
__scs_entry_jumppad:
0x0: {  	(pc) =	sbr.rel $0x88, $3  }
0x1: {  	(tag) =	ssettag $0x0;
	lr =	simm.s32 $0x1  }
0x2: {  	[smem:$0x3F9F] =	sst lr;
	_ =	strace $0xD0000000  }
0x3: {  	_ = 	snop  }
0x4: {  	_ = 	snop  }
0x5: {  	_ = 	snop  }
0x6: {  	_ = 	snop  }
0x7: {  	_ = 	snop  }
__scs_overlays_trampoline_lowered:
0x8: {  	[smem:$0x3FAE] =	sst s0  }
0x9: {  	[smem:$0x3FAF] =	sst s1  }
0xa: {  	[smem:$0x3FB0] =	sst s2  }
0xb: {  	[smem:$0x3FB1] =	sst s3  }
0xc: {  	[smem:$0x3FB2] =	sst s4  }
0xd: {  	[smem:$0x3FB3] =	sst s5  }
0xe: {  	[smem:$0x3FB4] =	sst s6  }
0xf: {  	[smem:$0x3FB5] =	sst s7  }
0x10: {  	[smem:$0x3FB6] =	sst s8  }
0x11: {  	[smem:$0x3FB7] =	sst s9;
	s0 =	simm.s32 @!p0 $0x0  }
0x12: {  	s1 =	sld [smem:$0x3F9D];
	s0 =	simm.s32 @p0 $0x1  }
0x13: {  	[smem:$0x3FB8] =	sst s0;
	s0 =	simm.s32 @!p1 $0x0  }
0x14: {  	s2 =	sld [smem:$0x3F9C];
	s0 =	simm.s32 @p1 $0x1  }
0x15: {  	[smem:$0x3FB9] =	sst s0;
	s0 =	simm.s32 @!p2 $0x0  }
0x16: {  	s3 =	sld [smem:$0x3FDB];
	s0 =	simm.s32 @p2 $0x1  }
0x17: {  	s4 =	simm.s32 $0x1BF5;
	[smem:$0x3FBB] =	sst s0  }
0x18: {  	s0 =	sld [smem:$0x3F9E];
	_ =	swait.ge [sflag:s4], $0x0  }
0x19: {  	s7 =	sld [smem:$0x3F9F]  }
0x1a: {  	s8 =	sadd.s32 $0xFFFFE003, lr  }
0x1b: {  	s9 =	sadd.s32 $0xFFFFFEF7, lr;
	s5 =	simm.s32 $0xFFFFFFFF;
	p2 =	slt.u32 s8, $0xFFFFF086  }
0x1c: {  	p1 =	slt.u32 s9, $0xF7A;
	s5 =	simm.s32 @!p2 $0x0  }
0x1d: {  	s5 =	simm.s32 @p1 $0x1;
	p0 =	seq.s32 s7, s2  }
0x1e: {  	s7 =	smul.u32 @!p0 $0xF7A, s2;
	p2 =	seq.s32 @!p0 s5, $0x0  }
0x1f: {  	s9 =	smul.u32 $0xF7A, s1;
	s8 =	simm.s32 @!p0 $0x1BF5;
	p2 =	por !p2, p0  }
0x20: {  	[sflag:s8] =	ssyncset.s32 @!p0 $0xFFFFF086;
	s6 =	sadd.s32 @!p0 s3, s7;
	s7 =	simm.s32 @!p0 $0x108  }
0x21: {  	s3 =	sadd.s32 s3, s9;
	s6 =	sadd.s32 @!p0 $0x88, s6;
	s7 =	simm.s32 @p2 $0x1082  }
0x22: {  	[simem:s7], [sflag:s8] =	dma.local @!p0 [hbm:s6], $0xF7A  }
0x23: {  	s9 =	sor.u32 $0xD0000000, s2;
	s6 =	simm.s32 $0x108;
	_ =	swait.ge @!p0 [sflag:s8], $0x0  }
0x24: {  	s3 =	sadd.s32 $0x88, s3;
	s6 =	simm.s32 @!p1 $0x1082;
	[sflag:s4] =	ssyncset.s32 $0xFFFFF086  }
0x25: {  	[simem:s6], [sflag:s4] =	dma.local [hbm:s3], $0xF7A  }
0x26: {  	[smem:$0x3F9F] =	sst s1;
	(tag) =	ssettag s2;
	_ =	strace s9  }
0x27: {  	s1 =	sld [smem:$0x3FAF]  }
0x28: {  	s2 =	sld [smem:$0x3FB0]  }
0x29: {  	s4 =	sld [smem:$0x3FB2]  }
0x2a: {  	p0 =	seq.s32 s5, $0x0;
	s5 =	sld [smem:$0x3FB3]  }
0x2b: {  	s6 =	sld [smem:$0x3FB4]  }
0x2c: {  	s7 =	sld [smem:$0x3FB5]  }
0x2d: {  	s3 =	simm.s32 $0x108;
	s8 =	sld [smem:$0x3FB6]  }
0x2e: {  	s3 =	simm.s32 @!p0 $0x1082;
	s9 =	sld [smem:$0x3FB7]  }
0x2f: {  	lr =	sadd.s32 s0, s3;
	s0 =	sld [smem:$0x3FAE]  }
0x30: {  	s3 =	sld [smem:$0x3FB1]  }
0x31: {  	[smem:$0x3FBA] =	sst s10  }
0x32: {  	s10 =	sld [smem:$0x3FB8];
	_ =	sdelay $0x3  }
0x33: {  	p0 =	seq.s32 s10, $0x1;
	s10 =	sld [smem:$0x3FBA];
	_ =	sdelay $0x3  }
0x34: {  	[smem:$0x3FBA] =	sst s10  }
0x35: {  	s10 =	sld [smem:$0x3FB9];
	_ =	sdelay $0x3  }
0x36: {  	p1 =	seq.s32 s10, $0x1;
	s10 =	sld [smem:$0x3FBA];
	_ =	sdelay $0x3  }
0x37: {  	[smem:$0x3FBA] =	sst s10  }
0x38: {  	s10 =	sld [smem:$0x3FBB]  }
0x39: {  	_ = 	snop;
	(pc) =	sbr.ind lr, $3  }
0x3a: {  	_ = 	snop  }
0x3b: {  	_ = 	snop  }
0x3c: {  	p2 =	seq.s32 s10, $0x1;
	s10 =	sld [smem:$0x3FBA]  }
0x3d: {  	_ =	shalt  }
0x3e: {  	_ =	shalt  }
0x3f: {  	_ =	shalt  }
0x40: {  	_ =	shalt  }
0x41: {  	_ =	shalt  }
0x42: {  	_ =	shalt  }
0x43: {  	_ =	shalt  }
0x44: {  	_ =	shalt  }
0x45: {  	_ =	shalt  }
0x46: {  	_ =	shalt  }
0x47: {  	_ =	shalt  }
0x48: {  	_ =	shalt  }
0x49: {  	_ =	shalt  }
0x4a: {  	_ =	shalt  }
0x4b: {  	_ =	shalt  }
0x4c: {  	_ =	shalt  }
0x4d: {  	_ =	shalt  }
0x4e: {  	_ =	shalt  }
0x4f: {  	_ =	shalt  }
0x50: {  	_ =	shalt  }
0x51: {  	_ =	shalt  }
0x52: {  	_ =	shalt  }
0x53: {  	_ =	shalt  }
0x54: {  	_ =	shalt  }
0x55: {  	_ =	shalt  }
0x56: {  	_ =	shalt  }
0x57: {  	_ =	shalt  }
0x58: {  	_ =	shalt  }
0x59: {  	_ =	shalt  }
0x5a: {  	_ =	shalt  }
0x5b: {  	_ =	shalt  }
0x5c: {  	_ =	shalt  }
0x5d: {  	_ =	shalt  }
0x5e: {  	_ =	shalt  }
0x5f: {  	_ =	shalt  }
0x60: {  	_ =	shalt  }
0x61: {  	_ =	shalt  }
0x62: {  	_ =	shalt  }
0x63: {  	_ =	shalt  }
0x64: {  	_ =	shalt  }
0x65: {  	_ =	shalt  }
0x66: {  	_ =	shalt  }
0x67: {  	_ =	shalt  }
0x68: {  	_ =	shalt  }
0x69: {  	_ =	shalt  }
0x6a: {  	_ =	shalt  }
0x6b: {  	_ =	shalt  }
0x6c: {  	_ =	shalt  }
0x6d: {  	_ =	shalt  }
0x6e: {  	_ =	shalt  }
0x6f: {  	_ =	shalt  }
0x70: {  	_ =	shalt  }
0x71: {  	_ =	shalt  }
0x72: {  	_ =	shalt  }
0x73: {  	_ =	shalt  }
0x74: {  	_ =	shalt  }
0x75: {  	_ =	shalt  }
0x76: {  	_ =	shalt  }
0x77: {  	_ =	shalt  }
0x78: {  	_ =	shalt  }
0x79: {  	_ =	shalt  }
0x7a: {  	_ =	shalt  }
0x7b: {  	_ =	shalt  }
0x7c: {  	_ =	shalt  }
0x7d: {  	_ =	shalt  }
0x7e: {  	_ =	shalt  }
0x7f: {  	_ =	shalt  }
0x80: {  	_ =	shalt  }
0x81: {  	_ =	shalt  }
0x82: {  	_ =	shalt  }
0x83: {  	_ =	shalt  }
0x84: {  	_ =	shalt  }
0x85: {  	_ =	shalt  }
0x86: {  	_ =	shalt  }
0x87: {  	_ =	shalt  }
.Lfunc_end0:
.L_simem_size_0:
called_computation_lowered:
.L_overlay_start_0:
0x88: {  	s2 =	sld [smem:$0x3FD9]  }
0x89: {  	s3 =	sld [smem:$0x3FFE];
	_ =	sdelay $0x1  }
0x8a: {  	s1 =	srdreg.scid  }
0x8b: {  	s0 =	sand.u32 $0x1, s1  }
0x8c: {  	s14 =	sshll.u32 s0, $0xA;
	s2 =	sadd.s32 s3, s2  }
0x8d: {  	s2 =	sadd.s32 s2, s14  }
0x8e: {  	[smem:$0x3FC6] =	sst s2  }
0x8f: {  	_ = 	snop  }
0x90: {  	s2 =	sld [smem:$0x3FD0];
	_ =	sdelay $0x2  }
0x91: {  	s15 =	simm.s32 $0xA;
	s4 =	simm.s32 $0x10  }
0x92: {  	[smem:s4], [sflag:s15] =	dma.local [hbm:s2], $0x1  }
0x93: {  	_ =	swait.eq [sflag:s15], $0x1  }
0x94: {  	[sflag:s15] =	ssyncset.done $0x0  }
0x95: {  	[sflag:s15] =	ssyncadd.s32 $0xFFFFFFFF  }
0x96: {  	s16 =	sld [smem:$0x13];
	(tm) =	ssettm $0x1  }
0x97: {  	s17 =	sld [smem:$0x3FFB];
	_ =	sdelay $0x3  }
0x98: {  	_ =	strace s17  }
0x99: {  	s3 =	sld [smem:$0x3FFC];
	_ =	sdelay $0x3  }
0x9a: {  	_ =	strace s3  }
0x9b: {  	s3 =	sld [smem:$0x3FFD];
	_ =	sdelay $0x3  }
0x9c: {  	_ =	strace s3  }
0x9d: {  	_ =	strace $0x8FFFFFFF  }
0x9e: {  	s18 =	sld [smem:$0x3FDB];
	_ =	sdelay $0x1  }
0x9f: {  	s19 =	simm.s32 $_scs_section_size  }
0xa0: {  	s5 =	simm.s32 $_size__tile_overlayer_lowered;
	s6 =	simm.s32 $_tile_overlayer_lowered  }
0xa1: {  	s22 =	simm.s32 $0x1BFF;
	s21 =	sshll.u32 s6, $0x1;
	s3 =	sadd.s32 s19, s18  }
0xa2: {  	s7 =	simm.s32 $0x0;
	s20 =	sshll.u32 s5, $0x1;
	s5 =	sadd.s32 s21, s3  }
0xa3: {  	[timem:s7], [sflag:s22] =	dma.local [hbm:s5], s20  }
0xa4: {  	_ =	swait.ge [sflag:s22], s20  }
0xa5: {  	s4 =	ssub.s32 $0x0, s20;
	[sflag:s22] =	ssyncset.done $0x0  }
0xa6: {  	[sflag:s22] =	ssyncadd.s32 s4;
	_ =	sdelay $0x1  }
0xa7: {  	s23 =	simm.s32 $0x1B8B  }
0xa8: {  	_ =	swait.ge [sflag:s23], $0x1  }
0xa9: {  	[sflag:s23] =	ssyncset.done $0x0  }
0xaa: {  	s25 =	simm.s32 $0x1B8E;
	s24 =	sld [smem:$0x3FFE];
	[sflag:s23] =	ssyncadd.s32 $0xFFFFFFFF  }
0xab: {  	s26 =	simm.s32 $execute0_lowered;
	[smem:$0x3FD2] =	sst s25  }
0xac: {  	s5 =	sshll.u32 s26, $0x1;
	_ =	strace $0x80000046;
	[dreg:$0x1] =	wrdreg $0xFFFFFFFF  }
0xad: {  	s28 =	simm.s32 $_size_execute0_lowered;
	s3 =	sadd.s32 s3, s5;
	[dreg:$0x0] =	wrdreg $0x0  }
0xae: {  	s5 =	sshll.u32 s28, $0x1;
	[dreg:$0x2] =	wrdreg s3  }
0xaf: {  	[dreg:$0x3] =	wrdreg s5  }
0xb0: {  	[dreg:$0x4] =	wrdreg $0xC0  }
0xb1: {  	_ =	task [dreg:s7], $0x5FFFF  }
0xb2: {  	[dreg:$0x1] =	wrdreg $0xFFFFFFFF  }
0xb3: {  	[dreg:$0x0] =	wrdreg $0x60  }
0xb4: {  	[dreg:$0x2] =	wrdreg s24  }
0xb5: {  	[dreg:$0x3] =	wrdreg s16  }
0xb6: {  	[dreg:$0x4] =	wrdreg $0x9  }
0xb7: {  	_ =	task.clear_ibuf [dreg:s7], $0x5FFFF;
	_ =	strace $0x90000046  }
0xb8: {  	s29 =	simm.s32 $0x9;
	_ =	strace $0x80000048  }
0xb9: {  	_ =	swait.ge [sflag:s29], $0x1  }
0xba: {  	[sflag:s29] =	ssyncadd.s32 $0xFFFFFFFF  }
0xbb: {  	_ =	strace $0x90000048  }
0xbc: {  	_ =	sfence  }
0xbd: {  	s30 =	sld [smem:$0x0];
	_ =	sdelay $0x2  }
0xbe: {  	s31 =	sshll.u32 s1, $0xD;
	s1 =	sshrl.u32 s1, $0x2  }
0xbf: {  	s3 =	sand.u32 $0x4000, s31;
	s1 =	sadd.s32 s1, s30  }
0xc0: {  	s0 =	sor.u32 s3, s0;
	s1 =	sshll.u32 s1, $0x11  }
0xc1: {  	s0 =	sor.u32 s1, s0  }
0xc2: {  	s0 =	sadd.s32 $0x8F2B, s0  }
0xc3: {  	[sflag:s0] =	ssyncadd.remote.s32 $0x1  }
0xc4: {  	_ =	sfence.sel $0xFFFF  }
0xc5: {  	[dreg:$0x0] =	wrdreg $0xFFFFFFFF;
	(pc) =	sbr.abs _section_cstart, $3  }
0xc6: {  	[dreg:$0x1] =	wrdreg $0xFFFFFFFF  }
0xc7: {  	_ =	task.clear_ibuf [dreg:s7], $0x2FFFF;
	_ =	strace $0x9FFFFFFF  }
0xc8: {  	(tm) =	ssettm $0x7FFFFFFF  }
0xc9: {  	_ =	shalt  }
tec
execute0_lowered:
.L_overlay_start_1:
0x0: {  	(tag) =	ssettag $0x1  }
0x1: {  	s3 =	rddreg [dreg:$0x0]  }
0x2: {  	s6 =	rddreg [dreg:$0x1]  }
0x3: {  	s0 =	rddreg [dreg:$0x2];
	s2 =	simm.s32 $0x0;
	s4 =	srdreg.scid  }
0x4: {  	s1 =	stileid.u32;
	s10 =	simm.s32 $0x4000;
	s11 =	simm.s32 $0x5000  }
0x5: {  	[smem:$0x7FF] =	sst s2;
	s4 =	sand.u32 $0x1, s4;
	s5 =	sshll.u32 s1, $0x1  }
0x6: {  	s12 =	simm.s32 $0x0;
	_ =	strace $0x80000047;
	s5 =	sor.u32 s4, s5  }
0x7: {  	s4 =	ssub.s32 $0x2, s4;
	s7 =	sshll.u32 s5, $0xB;
	s8 =	sshll.u32 s5, $0x9  }
0x8: {  	v0 =	vlaneseq.u32;
	s30 =	sshrl.u32 s4, $0x1;
	s31 =	sshll.u32 s5, $0x3;
	s7 =	sadd.s32 s7, s3  }
0x9: {  	v5 =	vmul.u32 $0xFFFFFFFF, v0;
	s8 =	sadd.s32 s8, s3;
	s9 =	ssub.s32 s4, s30;
	s6 =	sadd.s32 s6, s31  }
0xa: {  	v1 =	vimm.s32 $0x0;
	v6 =	vimm.s32 $0x1;
	v2 =	vor.u32 $0x10, v0;
	s3 =	sadd.s32 $0xA00, s7;
	s4 =	sadd.s32 $0x10A00, s8;
	s5 =	sadd.s32 $0x14A00, s8  }
0xb: {  	v3 =	vor.u32 $0x20, v0;
	v4 =	vor.u32 $0x30, v0;
	v5 =	vadd.s32 $0xF, v5;
	s7 =	smax.u32 s9, $0x1;
	s8 =	simm.s32 $0x1;
	s9 =	simm.s32 $0x6000  }
.LBB2_1:
0xc: {  	[tilespmem:s2], [sflag:$0x1] =	stream.linear.gather [hbm4b:s3+s2], $0x4000, $0x38;
	[tilespmem:$0x6080] =	vst v63  }
0xd: {  	_ =	swait.ge [sflag:s8], $0x4000  }
0xe: {  	[sflag:s8] =	ssyncset.done $0x0  }
0xf: {  	[sflag:s8] =	ssyncadd.s32 $0xFFFFC000  }
0x10: {  	[tilespmem:$0x6000] =	vst v1  }
0x11: {  	[tilespmem:$0x6010] =	vst v1  }
0x12: {  	[tilespmem:$0x6020] =	vst v1  }
0x13: {  	s13 =	simm.s32 $0x80;
	[tilespmem:$0x6030] =	vst v1  }
0x14: {  	v7 =	vld [tilespmem:s13+$0xFFFFFF80]  }
0x15: {  	s14 =	simm.s32 $0xC0;
	v8 =	vld [tilespmem:s13+$0xFFFFFFB0]  }
0x16: {  	s15 =	sor.u32 $0x50, s14;
	v9 =	vld [tilespmem:s13+$0xFFFFFFA0]  }
0x17: {  	v10 =	vld [tilespmem:s15+$0x0]  }
0x18: {  	s16 =	simm.s32 $0x40;
	v11 =	vld [tilespmem:s13+$0xFFFFFF90]  }
0x19: {  	s30 =	sor.u32 $0x50, s16;
	(xrf1) =	vsort.dscd.msk.f32 $0xffff, v7, v0  }
0x1a: {  	v7 =	vld [tilespmem:s30+$0x0];
	(xrf1) =	vsort.dscd.msk.f32 $0xffff, v8, v4  }
0x1b: {  	s31 =	sor.u32 $0x70, s14;
	v8 =	vld [tilespmem:s13+$0xFFFFFFC0];
	(xrf1) =	vsort.dscd.msk.f32 $0xffff, v9, v3  }
0x1c: {  	v9 =	vld [tilespmem:s31+$0x0];
	(xrf1) =	vsort.dscd.msk.f32 $0xffff, v10, v2  }
0x1d: {  	s14 =	sor.u32 $0x60, s14;
	(xrf1) =	vsort.dscd.msk.f32 $0xffff, v11, v2  }
0x1e: {  	v10 =	vld [tilespmem:s14+$0x0]  }
0x1f: {  	(xrf1) =	vsort.dscd.msk.f32 $0xffff, v7, v2  }
0x20: {  	(xrf1) =	vsort.dscd.msk.f32 $0xffff, v8, v0  }
0x21: {  	(xrf1) =	vsort.dscd.msk.f32 $0xffff, v9, v4;
	_ =	sdelay $0x1  }
0x22: {  	s15 =	sor.u32 $0x60, s16;
	(xrf1) =	vsort.dscd.msk.f32 $0xffff, v10, v3  }
0x23: {  	s17 =	sor.u32 $0x70, s16;
	v7 =	vld [tilespmem:s15+$0x0]  }
0x24: {  	v8 =	vld [tilespmem:s17+$0x0]  }
0x25: {  	v9 =	vld [tilespmem:s13+$0x30]  }
0x26: {  	v12 =	vld [tilespmem:s13+$0x40];
	v10, v11, _ =	vpop (xrf1)  }
0x27: {  	v15 =	vld [tilespmem:s13+$0x10];
	v13, v14, _ =	vpop (xrf1)  }
0x28: {  	v18 =	vld [tilespmem:s13+$0x0];
	(xrf1) =	vsort.dscd.msk.f32 $0xffff, v7, v3;
	v7, v16, _ =	vpop (xrf1)  }
0x29: {  	v21 =	vld [tilespmem:s13+$0x20];
	(xrf1) =	vsort.dscd.msk.f32 $0xffff, v8, v4;
	v8, v17, _ =	vpop (xrf1)  }
0x2a: {  	(xrf1) =	vsort.dscd.msk.f32 $0xffff, v9, v4;
	v19, v20, _ =	vpop (xrf1)  }
0x2b: {  	s18 =	simm.s32 $0x180;
	(xrf1) =	vsort.dscd.msk.f32 $0xffff, v12, v0;
	v20 =	vperm.xlane v20, v5  }
0x2c: {  	v24 =	vld [tilespmem:s18+$0xFFFFFF80];
	v19 =	vperm.xlane v19, v5;
	v9, v22, _ =	vpop (xrf1);
	(xrf1) =	vsort.dscd.msk.f32 $0xffff, v15, v2  }
0x2d: {  	v12, v23, _ =	vpop (xrf1);
	(xrf1) =	vsort.dscd.msk.f32 $0xffff, v18, v0  }
0x2e: {  	vm0 =	vge.f32 v10, v19;
	v15, v25, _ =	vpop (xrf1);
	(xrf1) =	vsort.dscd.msk.f32 $0xffff, v21, v3  }
0x2f: {  	v10 =	vsel vm0, v10, v19;
	v15 =	vperm.xlane v15, v5;
	v11 =	vsel vm0, v11, v20  }
0x30: {  	v13 =	vperm.xlane v13, v5;
	v18 =	vld [tilespmem:s18+$0xFFFFFFB0];
	v21 =	vperm.xlane v25, v5;
	v19, v20, _ =	vpop (xrf1);
	(xrf1) =	vsort.dscd.msk.f32 $0xffff, v10, v11  }
0x31: {  	s19 =	simm.s32 $0x1C0;
	v14 =	vperm.xlane v14, v5;
	v25 =	vld [tilespmem:s18+$0xFFFFFFA0];
	vm0 =	vge.f32 v19, v15;
	(xrf1) =	vsort.dscd.msk.f32 $0xffff, v24, v0  }
0x32: {  	s20 =	sor.u32 $0x50, s19;
	v10 =	vsel vm0, v19, v15;
	v11 =	vsel vm0, v20, v21;
	vm0 =	vge.f32 v7, v13  }
0x33: {  	s21 =	simm.s32 $0x140;
	v15 =	vld [tilespmem:s20+$0x0];
	(xrf1) =	vsort.dscd.msk.f32 $0xffff, v10, v11;
	v10 =	vsel vm0, v16, v14  }
0x34: {  	s22 =	sor.u32 $0x50, s21;
	v19 =	vld [tilespmem:s18+$0xFFFFFF90]  }
0x35: {  	v11 =	vld [tilespmem:s22+$0x0];
	(xrf1) =	vsort.dscd.msk.f32 $0xffff, v18, v4  }
0x36: {  	v7 =	vsel vm0, v7, v13;
	v13 =	vld [tilespmem:s18+$0xFFFFFFC0];
	(xrf1) =	vsort.dscd.msk.f32 $0xffff, v25, v3  }
0x37: {  	(xrf1) =	vsort.dscd.msk.f32 $0xffff, v7, v10;
	v7 =	vperm.xlane v9, v5;
	v9, v10, _ =	vpop (xrf1)  }
0x38: {  	v16 =	vperm.xlane v22, v5;
	(xrf1) =	vsort.dscd.msk.f32 $0xffff, v15, v2;
	v14, v15, _ =	vpop (xrf1)  }
0x39: {  	(xrf1) =	vsort.dscd.msk.f32 $0xffff, v19, v2;
	vm0 =	vge.f32 v12, v7;
	v14 =	vperm.xlane v14, v5  }
0x3a: {  	v7 =	vsel vm0, v12, v7;
	v12 =	vperm.xlane v15, v5;
	(xrf1) =	vsort.dscd.msk.f32 $0xffff, v11, v2  }
0x3b: {  	s23 =	sor.u32 $0x70, s19;
	v16 =	vsel vm0, v23, v16;
	(xrf1) =	vsort.dscd.msk.f32 $0xffff, v13, v0  }
0x3c: {  	s14 =	sor.u32 $0x60, s19;
	v18 =	vld [tilespmem:s23+$0x0];
	v15, v19, _ =	vpop (xrf1);
	vm1 =	vge.f32 v9, v14;
	(xrf1) =	vsort.dscd.msk.f32 $0xffff, v7, v16;
	v7 =	vperm.xlane v8, v5  }
0x3d: {  	v21 =	vld [tilespmem:s14+$0x0];
	v11, v20, _ =	vpop (xrf1);
	v10 =	vsel vm1, v10, v12;
	v9 =	vsel vm1, v9, v14  }
0x3e: {  	s24 =	sor.u32 $0x60, s21;
	v12, v13, _ =	vpop (xrf1);
	(xrf1) =	vsort.dscd.msk.f32 $0xffff, v9, v10;
	v9 =	vperm.xlane v17, v5;
	vm0 =	vge.f32 v11, v7  }
0x3f: {  	s15 =	sor.u32 $0x70, s21;
	v16 =	vld [tilespmem:s24+$0x0];
	v8, v14, _ =	vpop (xrf1);
	v7 =	vsel vm0, v11, v7  }
0x40: {  	v22 =	vld [tilespmem:s15+$0x0];
	v10, v17, _ =	vpop (xrf1);
	v9 =	vsel vm0, v20, v9  }
0x41: {  	v19 =	vperm.xlane v19, v5;
	(xrf1) =	vsort.dscd.msk.f32 $0xffff, v18, v4;
	v18, v23, _ =	vpop (xrf1)  }
0x42: {  	(xrf1) =	vsort.dscd.msk.f32 $0xffff, v21, v3;
	v11, v20, _ =	vpop (xrf1)  }
0x43: {  	v15 =	vperm.xlane v15, v5;
	(xrf1) =	vsort.dscd.msk.f32 $0xffff, v7, v9;
	v9, v7, _ =	vpop (xrf1)  }
0x44: {  	v13 =	vperm.xlane v13, v5;
	(xrf1) =	vsort.dscd.msk.f32 $0xffff, v16, v3;
	v16, v24, _ =	vpop (xrf1)  }
0x45: {  	v12 =	vperm.xlane v12, v5;
	v21 =	vld [tilespmem:s18+$0x30];
	vm0 =	vge.f32 v10, v15;
	(xrf1) =	vsort.dscd.msk.f32 $0xffff, v22, v4;
	v22, v26, _ =	vpop (xrf1)  }
0x46: {  	v25 =	vld [tilespmem:s18+$0x40];
	v10 =	vsel vm0, v10, v15;
	v15 =	vsel vm0, v17, v19;
	v17, v19, _ =	vpop (xrf1)  }
0x47: {  	vm1 =	vge.f32 v8, v12;
	v17 =	vperm.xlane v17, v5  }
0x48: {  	v27 =	vld [tilespmem:s18+$0x10];
	v8 =	vsel vm1, v8, v12;
	v12 =	vsel vm1, v14, v13;
	v13, v14, _ =	vpop (xrf1);
	v19 =	vperm.xlane v19, v5  }
0x49: {  	v28 =	vld [tilespmem:s18+$0x0];
	v29, v30, _ =	vpop (xrf1);
	(xrf1) =	vsort.dscd.msk.f32 $0xffff, v10, v15;
	vm0 =	vge.f32 v18, v17  }
0x4a: {  	(xrf1) =	vsort.dscd.msk.f32 $0xffff, v21, v4;
	v17 =	vsel vm0, v18, v17;
	v18 =	vsel vm0, v23, v19  }
0x4b: {  	v15 =	vld [tilespmem:s18+$0x20];
	v10 =	vperm.xlane v29, v5;
	v21, v29, _ =	vpop (xrf1);
	(xrf1) =	vsort.dscd.msk.f32 $0xffff, v25, v0  }
0x4c: {  	v19, v23, _ =	vpop (xrf1);
	(xrf1) =	vsort.dscd.msk.f32 $0xffff, v17, v18  }
0x4d: {  	s17 =	simm.s32 $0x280;
	vm0 =	vge.f32 v11, v10;
	v17 =	vperm.xlane v30, v5;
	(xrf1) =	vsort.dscd.msk.f32 $0xffff, v27, v2;
	v18, v25, _ =	vpop (xrf1)  }
0x4e: {  	v10 =	vsel vm0, v11, v10;
	v11 =	vperm.xlane v16, v5;
	(xrf1) =	vsort.dscd.msk.f32 $0xffff, v28, v0;
	v28 =	vld [tilespmem:s17+$0xFFFFFF80];
	v16, v27, _ =	vpop (xrf1)  }
0x4f: {  	v24 =	vperm.xlane v24, v5;
	v30, v31, _ =	vpop (xrf1);
	(xrf1) =	vsort.dscd.msk.f32 $0xffff, v8, v12  }
0x50: {  	v21 =	vperm.xlane v21, v5;
	v12 =	vperm.xlane v30, v5;
	(xrf1) =	vsort.dscd.msk.f32 $0xffff, v15, v3;
	v15 =	vld [tilespmem:s17+$0xFFFFFFB0]  }
0x51: {  	vm1 =	vge.f32 v22, v11;
	v8 =	vsel vm0, v20, v17;
	v17, v20, _ =	vpop (xrf1);
	v30 =	vperm.xlane v31, v5;
	v31 =	vld [tilespmem:s17+$0xFFFFFFA0]  }
0x52: {  	v16 =	vperm.xlane v16, v5;
	(xrf1) =	vsort.dscd.msk.f32 $0xffff, v10, v8;
	vm2 =	vge.f32 v17, v12  }
0x53: {  	s25 =	simm.s32 $0x2C0;
	v32, v33, _ =	vpop (xrf1);
	(xrf1) =	vsort.dscd.msk.f32 $0xffff, v28, v0;
	v12 =	vsel vm2, v17, v12;
	v17 =	vsel vm2, v20, v30  }
0x54: {  	s26 =	sor.u32 $0x50, s25;
	v24 =	vsel vm1, v26, v24;
	vm0 =	vge.f32 v18, v16;
	v8, v10, _ =	vpop (xrf1);
	(xrf1) =	vsort.dscd.msk.f32 $0xffff, v12, v17  }
0x55: {  	v11 =	vsel vm1, v22, v11;
	v16 =	vsel vm0, v18, v16;
	v20 =	vld [tilespmem:s26+$0x0];
	v18, v26, _ =	vpop (xrf1);
	(xrf1) =	vsort.dscd.msk.f32 $0xffff, v15, v4  }
0x56: {  	s28 =	simm.s32 $0x240;
	v28 =	vld [tilespmem:s17+$0xFFFFFF90];
	v12 =	vperm.xlane v18, v5;
	v18 =	vperm.xlane v26, v5;
	(xrf1) =	vsort.dscd.msk.f32 $0xffff, v31, v3  }
0x57: {  	s29 =	sor.u32 $0x50, s28;
	vm2 =	vge.f32 v19, v21;
	(xrf1) =	vsort.dscd.msk.f32 $0xffff, v11, v24;
	v24 =	vperm.xlane v29, v5  }
0x58: {  	v7 =	vperm.xlane v7, v5;
	v9 =	vperm.xlane v9, v5;
	v17 =	vsel vm2, v19, v21;
	v15 =	vld [tilespmem:s29+$0x0];
	v19, v21, _ =	vpop (xrf1)  }
0x59: {  	v14 =	vperm.xlane v14, v5;
	v22 =	vld [tilespmem:s17+$0xFFFFFFC0];
	vm1 =	vge.f32 v8, v12;
	v11 =	vperm.xlane v27, v5;
	v26, v27, _ =	vpop (xrf1)  }
0x5a: {  	v13 =	vperm.xlane v13, v5;
	v10 =	vsel vm1, v10, v18;
	(xrf1) =	vsort.dscd.msk.f32 $0xffff, v20, v2;
	v18, v20, _ =	vpop (xrf1)  }
0x5b: {  	s30 =	sor.u32 $0x70, s25;
	(xrf1) =	vsort.dscd.msk.f32 $0xffff, v28, v2;
	v11 =	vsel vm0, v25, v11;
	v23 =	vsel vm2, v23, v24;
	v24, v25, _ =	vpop (xrf1)  }
0x5c: {  	s13 =	sor.u32 $0x60, s25;
	v8 =	vsel vm1, v8, v12;
	v27 =	vperm.xlane v27, v5;
	v28 =	vld [tilespmem:s30+$0x0];
	vm2 =	vge.f32 v18, v13;
	v12, v30, _ =	vpop (xrf1)  }
0x5d: {  	v29 =	vld [tilespmem:s13+$0x0];
	v13 =	vsel vm2, v18, v13;
	(xrf1) =	vsort.dscd.msk.f32 $0xffff, v15, v2;
	v15 =	vperm.xlane v19, v5;
	v18, v31, _ =	vpop (xrf1)  }
0x5e: {  	s31 =	sor.u32 $0x60, s28;
	vm0 =	vge.f32 v32, v9;
	v19 =	vperm.xlane v26, v5;
	(xrf1) =	vsort.dscd.msk.f32 $0xffff, v22, v0;
	v22, v26, _ =	vpop (xrf1)  }
0x5f: {  	v34 =	vld [tilespmem:s31+$0x0];
	s14 =	sor.u32 $0x70, s28;
	v14 =	vsel vm2, v20, v14;
	v9 =	vsel vm0, v32, v9;
	(xrf1) =	vsort.dscd.msk.f32 $0xffff, v17, v23;
	v17, v23, _ =	vpop (xrf1)  }
0x60: {  	v35 =	vld [tilespmem:s14+$0x0];
	v12 =	vperm.xlane v12, v5;
	(xrf1) =	vsort.dscd.msk.f32 $0xffff, v8, v10;
	vm3 =	vge.f32 v17, v19  }
0x61: {  	s14 =	simm.s32 $0x0;
	vm1 =	vge.f32 v22, v15;
	(xrf1) =	vsort.dscd.msk.f32 $0xffff, v28, v4;
	v10 =	vsel vm3, v17, v19;
	v17, v28, _ =	vpop (xrf1)  }
0x62: {  	[tilespmem:s14+$0x4000] =	vst v24;
	v8 =	vperm.xlane v30, v5;
	(xrf1) =	vsort.dscd.msk.f32 $0xffff, v29, v3;
	v29 =	vsel vm1, v22, v15;
	v30, v15, _ =	vpop (xrf1)  }
0x63: {  	[tilespmem:s14+$0x5000] =	vst v25;
	vm2 =	vge.f32 v18, v12;
	(xrf1) =	vsort.dscd.msk.f32 $0xffff, v13, v14;
	v13 =	vsel vm3, v23, v27;
	v14, v27, _ =	vpop (xrf1)  }
0x64: {  	[tilespmem:v25+s9+$0x0] =	vst.idx.add.s32.msk $0xff, v6;
	v19 =	vsel vm2, v18, v12;
	(xrf1) =	vsort.dscd.msk.f32 $0xffff, v34, v3;
	v23, v22, _ =	vpop (xrf1)  }
0x65: {  	v63 =	vld [tilespmem:s17+$0x30];
	v20 =	vsel vm2, v31, v8;
	v8 =	vperm.xlane v21, v5;
	(xrf1) =	vsort.dscd.msk.f32 $0xffff, v35, v4;
	v12, v18, _ =	vpop (xrf1)  }
0x66: {  	v7 =	vsel vm0, v33, v7;
	v21 =	vld [tilespmem:s17+$0x40];
	(xrf1) =	vsort.dscd.msk.f32 $0xffff, v16, v11;
	v16, v24, _ =	vpop (xrf1)  }
0x67: {  	v8 =	vsel vm1, v26, v8;
	(xrf1) =	vsort.dscd.msk.f32 $0xffff, v9, v7;
	v25 =	vperm.xlane v16, v5  }
0x68: {  	v31 =	vld [tilespmem:s17+$0x10];
	v7 =	vperm.xlane v27, v5;
	v11, v9, _ =	vpop (xrf1);
	(xrf1) =	vsort.dscd.msk.f32 $0xffff, v29, v8;
	v26 =	vperm.xlane v24, v5  }
0x69: {  	v27 =	vld [tilespmem:s17+$0x0];
	v8 =	vperm.xlane v9, v5;
	v9, v29, _ =	vpop (xrf1);
	(xrf1) =	vsort.dscd.msk.f32 $0xffff, v10, v13;
	vm0 =	vge.f32 v17, v25  }
0x6a: {  	v10 =	vperm.xlane v9, v5;
	(xrf1) =	vsort.dscd.msk.f32 $0xffff, v63, v4;
	v17 =	vsel vm0, v17, v25  }
0x6b: {  	v24, v16, _ =	vpop (xrf1);
	(xrf1) =	vsort.dscd.msk.f32 $0xffff, v21, v0;
	v25 =	vsel vm0, v28, v26  }
0x6c: {  	s16 =	simm.s32 $0x8;
	s15 =	simm.s32 $0x100;
	v9 =	vperm.xlane v14, v5;
	v26 =	vld [tilespmem:s17+$0x20];
	vm0 =	vge.f32 v30, v10;
	v21, v13, _ =	vpop (xrf1);
	(xrf1) =	vsort.dscd.msk.f32 $0xffff, v17, v25  }
0x6d: {  	s18 =	simm.s32 $0x380;
	s13 =	simm.s32 $0x200;
	v28 =	vperm.xlane v29, v5;
	s17 =	simm.s32 $0x300;
	v25 =	vsel vm0, v30, v10;
	(xrf1) =	vsort.dscd.msk.f32 $0xffff, v31, v2;
	v17, v14, _ =	vpop (xrf1)  }
.LBB2_2:
0x6e: {  	s20 =	sadd.s32 $0x40, s17;
	v10 =	vld [tilespmem:s18+$0x10];
	s22 =	sadd.s32 $0xC0, s17;
	s16 =	sadd.s32 $0x4, s16;
	v23 =	vperm.xlane v23, v5;
	v22 =	vperm.xlane v22, v5;
	(xrf1) =	vsort.dscd.msk.f32 $0xffff, v27, v0;
	v27, v29, _ =	vpop (xrf1)  }
0x6f: {  	v24 =	vperm.xlane v24, v5;
	v15 =	vsel vm0, v15, v28;
	v32, v31, _ =	vpop (xrf1)  }
0x70: {  	v30 =	vld [tilespmem:s18+$0xFFFFFF80];
	s23 =	sor.u32 $0x50, s20;
	s19 =	sor.u32 $0x60, s20;
	s21 =	sor.u32 $0x70, s22;
	v27 =	vperm.xlane v27, v5;
	(xrf1) =	vsort.dscd.msk.f32 $0xffff, v19, v20;
	v20 =	vperm.xlane v32, v5  }
0x71: {  	s20 =	sor.u32 $0x70, s20;
	s24 =	sor.u32 $0x50, s22;
	p0 =	slt.u32 s16, $0xFC;
	v19 =	vld [tilespmem:s18+$0xFFFFFF90];
	vm1 =	vge.f32 v12, v23;
	(xrf1) =	vsort.dscd.msk.f32 $0xffff, v26, v3;
	v26, v28, _ =	vpop (xrf1);
	v40 =	vperm.xlane v31, v5  }
0x72: {  	v32 =	vld [tilespmem:s18+$0xFFFFFFB0];
	v18 =	vsel vm1, v18, v22;
	vm0 =	vge.f32 v17, v27;
	v31, v33, _ =	vpop (xrf1);
	vm2 =	vge.f32 v26, v20  }
0x73: {  	s22 =	sor.u32 $0x60, s22;
	v34 =	vld [tilespmem:s18+$0xFFFFFFA0];
	v35, v36, _ =	vpop (xrf1);
	v27 =	vsel vm0, v17, v27;
	v39 =	vsel vm2, v26, v20  }
0x74: {  	v17 =	vld [tilespmem:s18+$0x40];
	v38 =	vsel vm2, v28, v40;
	(xrf1) =	vsort.dscd.msk.f32 $0xffff, v25, v15;
	v15, v25, _ =	vpop (xrf1);
	vm2 =	vge.f32 v21, v24  }
0x75: {  	v26 =	vld [tilespmem:s24+$0x0];
	(xrf1) =	vsort.dscd.msk.f32 $0xffff, v30, v0;
	v15 =	vperm.xlane v15, v5;
	v28, v30, _ =	vpop (xrf1);
	v21 =	vsel vm2, v21, v24  }
0x76: {  	v24 =	vperm.xlane v25, v5;
	v37 =	vld [tilespmem:s23+$0x0];
	(xrf1) =	vsort.dscd.msk.f32 $0xffff, v39, v38;
	[tilespmem:s14+$0x4010] =	vst v28;
	v20, v22, _ =	vpop (xrf1);
	v38 =	vsel vm1, v12, v23  }
0x77: {  	v28 =	vperm.xlane v29, v5;
	v25 =	vld [tilespmem:s18+$0x30];
	(xrf1) =	vsort.dscd.msk.f32 $0xffff, v32, v4;
	vm3 =	vge.f32 v35, v15;
	[tilespmem:s14+$0x5010] =	vst v30;
	v29, v32, _ =	vpop (xrf1)  }
0x78: {  	v39 =	vperm.xlane v16, v5;
	(xrf1) =	vsort.dscd.msk.f32 $0xffff, v34, v3;
	v23, v34, _ =	vpop (xrf1);
	[tilespmem:s14+$0x4030] =	vst v20  }
0x79: {  	v11 =	vperm.xlane v11, v5;
	v24 =	vsel vm3, v36, v24;
	v20 =	vld [tilespmem:s18+$0xFFFFFFC0];
	(xrf1) =	vsort.dscd.msk.f32 $0xffff, v38, v18;
	v12, v18, _ =	vpop (xrf1);
	[tilespmem:s14+$0x5030] =	vst v22  }
0x7a: {  	v14 =	vsel vm0, v14, v28;
	vm0 =	vge.f32 v31, v9;
	v36 =	vld [tilespmem:s21+$0x0];
	(xrf1) =	vsort.dscd.msk.f32 $0xffff, v26, v2;
	v26, v38, _ =	vpop (xrf1);
	[tilespmem:s14+$0x4020] =	vst v29  }
0x7b: {  	v13 =	vsel vm2, v13, v39;
	v28 =	vld [tilespmem:s22+$0x0];
	(xrf1) =	vsort.dscd.msk.f32 $0xffff, v19, v2;
	vm1 =	vge.f32 v26, v11;
	v16, v29, _ =	vpop (xrf1);
	[tilespmem:s14+$0x5020] =	vst v32  }
0x7c: {  	v15 =	vsel vm3, v35, v15;
	v11 =	vsel vm1, v26, v11;
	v19, v26, _ =	vpop (xrf1);
	[tilespmem:v22+s9+$0x0] =	vst.idx.add.s32.msk $0xff, v6  }
0x7d: {  	v23 =	vperm.xlane v23, v5;
	(xrf1) =	vsort.dscd.msk.f32 $0xffff, v37, v2;
	v22, v35, _ =	vpop (xrf1);
	[tilespmem:v30+s9+$0x0] =	vst.idx.add.s32.msk $0xff, v6  }
0x7e: {  	v12 =	vperm.xlane v12, v5;
	s14 =	sshra.s32 s15, $0x2;
	s15 =	smov.u32 s13;
	s13 =	smov.u32 s17;
	(xrf1) =	vsort.dscd.msk.f32 $0xffff, v20, v0;
	v20, v30, _ =	vpop (xrf1);
	[tilespmem:v32+s9+$0x0] =	vst.idx.add.s32.msk $0xff, v6  }
0x7f: {  	v18 =	vperm.xlane v18, v5;
	v32 =	vld [tilespmem:s19+$0x0];
	(xrf1) =	vsort.dscd.msk.f32 $0xffff, v21, v13;
	v13, v21, _ =	vpop (xrf1);
	[tilespmem:s14+$0x4000] =	vst v16;
	vm2 =	vge.f32 v20, v23  }
0x80: {  	v19 =	vperm.xlane v19, v5;
	v16 =	vld [tilespmem:s20+$0x0];
	vm3 =	vge.f32 v13, v12;
	(xrf1) =	vsort.dscd.msk.f32 $0xffff, v15, v24;
	[tilespmem:s14+$0x5000] =	vst v29  }
0x81: {  	v24 =	vperm.xlane v26, v5;
	(xrf1) =	vsort.dscd.msk.f32 $0xffff, v36, v4;
	v13 =	vsel vm3, v13, v12  }
0x82: {  	v26 =	vsel vm2, v20, v23;
	v12 =	vsel vm1, v38, v8;
	(xrf1) =	vsort.dscd.msk.f32 $0xffff, v28, v3;
	v28, v36, _ =	vpop (xrf1)  }
0x83: {  	vm1 =	vge.f32 v22, v19;
	v21 =	vsel vm3, v21, v18;
	v37, v15, _ =	vpop (xrf1);
	(xrf1) =	vsort.dscd.msk.f32 $0xffff, v11, v12  }
0x84: {  	v19 =	vsel vm1, v22, v19;
	v20 =	vsel vm1, v35, v24;
	(xrf1) =	vsort.dscd.msk.f32 $0xffff, v32, v3;
	v32, v8, _ =	vpop (xrf1)  }
0x85: {  	v34 =	vperm.xlane v34, v5;
	v31 =	vsel vm0, v31, v9;
	v23, v22, _ =	vpop (xrf1);
	(xrf1) =	vsort.dscd.msk.f32 $0xffff, v16, v4  }
0x86: {  	v7 =	vsel vm0, v33, v7;
	v12, v18, _ =	vpop (xrf1);
	[tilespmem:v29+s9+$0x0] =	vst.idx.add.s32.msk $0xff, v6;
	(xrf1) =	vsort.dscd.msk.f32 $0xffff, v27, v14  }
0x87: {  	v24 =	vsel vm2, v30, v34;
	v14, v16, _ =	vpop (xrf1);
	(xrf1) =	vsort.dscd.msk.f32 $0xffff, v31, v7  }
0x88: {  	v7 =	vperm.xlane v8, v5;
	v11, v9, _ =	vpop (xrf1);
	v14 =	vperm.xlane v14, v5;
	(xrf1) =	vsort.dscd.msk.f32 $0xffff, v26, v24  }
.Ltmp0:
0x89: {  	v30 =	vperm.xlane v16, v5;
	v27 =	vld [tilespmem:s18+$0x0];
	v8 =	vperm.xlane v9, v5;
	v9, v29, _ =	vpop (xrf1);
	(xrf1) =	vsort.dscd.msk.f32 $0xffff, v13, v21;
	(pc) =	sbr.rel @p0 .LBB2_2-.Ltmp0, $4  }
0x8a: {  	v31 =	vperm.xlane v9, v5;
	(xrf1) =	vsort.dscd.msk.f32 $0xffff, v25, v4;
	vm0 =	vge.f32 v28, v14  }
0x8b: {  	v26 =	vld [tilespmem:s18+$0x20];
	v24, v16, _ =	vpop (xrf1);
	(xrf1) =	vsort.dscd.msk.f32 $0xffff, v17, v0;
	v33 =	vsel vm0, v28, v14;
	v30 =	vsel vm0, v36, v30  }
0x8c: {  	v9 =	vperm.xlane v32, v5;
	vm0 =	vge.f32 v37, v31;
	v21, v13, _ =	vpop (xrf1);
	(xrf1) =	vsort.dscd.msk.f32 $0xffff, v33, v30  }
0x8d: {  	s17 =	sadd.s32 $0x100, s17;
	v28 =	vperm.xlane v29, v5;
	s18 =	sadd.s32 $0x100, s18;
	v25 =	vsel vm0, v37, v31;
	(xrf1) =	vsort.dscd.msk.f32 $0xffff, v10, v2;
	v17, v14, _ =	vpop (xrf1)  }
0x8e: {  	v10, v48, _ =	vpop (xrf1)  }
0x8f: {  	v49 =	vperm.xlane v23, v5;
	v29, v30, _ =	vpop (xrf1)  }
0x90: {  	(xrf1) =	vsort.dscd.msk.f32 $0xffff, v27, v0;
	v22 =	vperm.xlane v22, v5;
	v50 =	vperm.xlane v29, v5  }
0x91: {  	(xrf1) =	vsort.dscd.msk.f32 $0xffff, v19, v20;
	v15 =	vsel vm0, v15, v28;
	v51, v52, _ =	vpop (xrf1);
	v53 =	vperm.xlane v30, v5  }
0x92: {  	(xrf1) =	vsort.dscd.msk.f32 $0xffff, v26, v3;
	vm4 =	vge.f32 v12, v49;
	v54, v31, _ =	vpop (xrf1);
	vm1 =	vge.f32 v51, v50  }
0x93: {  	v55, v32, _ =	vpop (xrf1);
	(xrf1) =	vsort.dscd.msk.f32 $0xffff, v25, v15;
	v20 =	vsel vm1, v51, v50;
	v56 =	vsel vm1, v52, v53  }
0x94: {  	v18 =	vsel vm4, v18, v22;
	v12 =	vsel vm4, v12, v49;
	v15, v25, _ =	vpop (xrf1);
	(xrf1) =	vsort.dscd.msk.f32 $0xffff, v20, v56  }
0x95: {  	v58, v57, _ =	vpop (xrf1);
	(xrf1) =	vsort.dscd.msk.f32 $0xffff, v12, v18;
	_ =	sdelay $0x1  }
0x96: {  	v24 =	vperm.xlane v24, v5;
	v16 =	vperm.xlane v16, v5;
	v60, v59, _ =	vpop (xrf1)  }
0x97: {  	v11 =	vperm.xlane v11, v5;
	v10 =	vperm.xlane v10, v5;
	v12, v18, _ =	vpop (xrf1)  }
0x98: {  	v27 =	vperm.xlane v48, v5;
	v15 =	vperm.xlane v15, v5;
	v61, v29, _ =	vpop (xrf1)  }
0x99: {  	vm6 =	vge.f32 v21, v24;
	vm5 =	vge.f32 v17, v10;
	v62 =	vperm.xlane v25, v5;
	v33, v34, _ =	vpop (xrf1)  }
0x9a: {  	v21 =	vsel vm6, v21, v24;
	v13 =	vsel vm6, v13, v16;
	vm2 =	vge.f32 v55, v15;
	v35, v36, _ =	vpop (xrf1)  }
0x9b: {  	v10 =	vsel vm5, v17, v10;
	v17 =	vsel vm2, v32, v62;
	v63, v37, _ =	vpop (xrf1);
	vm7 =	vge.f32 v35, v11  }
0x9c: {  	v15 =	vsel vm2, v55, v15;
	v39, v38, _ =	vpop (xrf1);
	v11 =	vsel vm7, v35, v11  }
0x9d: {  	v14 =	vsel vm5, v14, v27;
	vm10 =	vge.f32 v54, v9;
	v8 =	vsel vm7, v36, v8;
	v41, v40, _ =	vpop (xrf1)  }
0x9e: {  	v9 =	vsel vm10, v54, v9;
	v7 =	vsel vm10, v31, v7;
	(xrf1) =	vsort.dscd.msk.f32 $0xffff, v21, v13;
	v13, v21, _ =	vpop (xrf1)  }
0x9f: {  	v23 =	vperm.xlane v61, v5;
	v29 =	vperm.xlane v29, v5;
	(xrf1) =	vsort.dscd.msk.f32 $0xffff, v15, v17;
	v15, v17, _ =	vpop (xrf1)  }
0xa0: {  	v33 =	vperm.xlane v33, v5;
	(xrf1) =	vsort.dscd.msk.f32 $0xffff, v11, v8;
	v16 =	vperm.xlane v39, v5;
	v8, v11, _ =	vpop (xrf1)  }
0xa1: {  	v44 =	vperm.xlane v34, v5;
	v24 =	vperm.xlane v38, v5;
	(xrf1) =	vsort.dscd.msk.f32 $0xffff, v10, v14;
	v43, v42, _ =	vpop (xrf1)  }
0xa2: {  	vm9 =	vge.f32 v13, v23;
	vm11 =	vge.f32 v41, v16;
	vm8 =	vge.f32 v15, v33;
	v10, v14, _ =	vpop (xrf1)  }
0xa3: {  	v13 =	vsel vm9, v13, v23;
	v21 =	vsel vm9, v21, v29;
	v10 =	vperm.xlane v10, v5  }
0xa4: {  	v15 =	vsel vm8, v15, v33;
	(xrf1) =	vsort.dscd.msk.f32 $0xffff, v9, v7;
	v7 =	vperm.xlane v14, v5  }
0xa5: {  	v45 =	vsel vm8, v17, v44;
	(xrf1) =	vsort.dscd.msk.f32 $0xffff, v13, v21;
	vm12 =	vge.f32 v8, v10  }
0xa6: {  	(xrf1) =	vsort.dscd.msk.f32 $0xffff, v15, v45;
	v8 =	vsel vm12, v8, v10;
	v7 =	vsel vm12, v11, v7  }
0xa7: {  	v46 =	vsel vm11, v41, v16;
	v47 =	vsel vm11, v40, v24;
	(xrf1) =	vsort.dscd.msk.f32 $0xffff, v8, v7  }
0xa8: {  	(xrf1) =	vsort.dscd.msk.f32 $0xffff, v46, v47;
	_ =	sdelay $0x2  }
0xa9: {  	[tilespmem:s14+$0x4010] =	vst v58  }
0xaa: {  	[tilespmem:s14+$0x5010] =	vst v57  }
0xab: {  	[tilespmem:s14+$0x4030] =	vst v60;
	v7, v8, _ =	vpop (xrf1)  }
0xac: {  	[tilespmem:s14+$0x5030] =	vst v59;
	v9, v10, _ =	vpop (xrf1)  }
0xad: {  	[tilespmem:s14+$0x4020] =	vst v12;
	v9 =	vperm.xlane v9, v5  }
0xae: {  	[tilespmem:s14+$0x5020] =	vst v18;
	v48, v49, _ =	vpop (xrf1);
	v10 =	vperm.xlane v10, v5  }
0xaf: {  	[tilespmem:v57+s9+$0x0] =	vst.idx.add.s32.msk $0xff, v6;
	v51, v50, _ =	vpop (xrf1);
	vm13 =	vge.f32 v7, v9  }
0xb0: {  	[tilespmem:v59+s9+$0x0] =	vst.idx.add.s32.msk $0xff, v6;
	v54 =	vperm.xlane v43, v5;
	v52, v53, _ =	vpop (xrf1);
	v8 =	vsel vm13, v8, v10  }
0xb1: {  	s31 =	sshra.s32 s15, $0x2;
	[tilespmem:v18+s9+$0x0] =	vst.idx.add.s32.msk $0xff, v6;
	v57 =	vperm.xlane v42, v5;
	v56, v55, _ =	vpop (xrf1);
	v7 =	vsel vm13, v7, v9  }
0xb2: {  	[tilespmem:s31+$0x4000] =	vst v63;
	vm14 =	vge.f32 v48, v54;
	v59, v58, _ =	vpop (xrf1);
	(xrf1) =	vsort.dscd.msk.f32 $0xffff, v7, v8  }
0xb3: {  	[tilespmem:s31+$0x5000] =	vst v37;
	v11 =	vsel vm14, v48, v54;
	v12 =	vsel vm14, v49, v57;
	v9 =	vperm.xlane v59, v5;
	v61, v60, _ =	vpop (xrf1)  }
0xb4: {  	[tilespmem:v37+s9+$0x0] =	vst.idx.add.s32.msk $0xff, v6;
	v21 =	vperm.xlane v58, v5;
	(xrf1) =	vsort.dscd.msk.f32 $0xffff, v11, v12;
	v7, v8, _ =	vpop (xrf1)  }
0xb5: {  	[tilespmem:s31+$0x4010] =	vst v51;
	vm15 =	vge.f32 v7, v9  }
0xb6: {  	[tilespmem:s31+$0x5010] =	vst v50;
	v7 =	vsel vm15, v7, v9;
	v8 =	vsel vm15, v8, v21  }
0xb7: {  	[tilespmem:s31+$0x4030] =	vst v52;
	(xrf1) =	vsort.dscd.msk.f32 $0xffff, v7, v8  }
0xb8: {  	[tilespmem:s31+$0x5030] =	vst v53  }
0xb9: {  	[tilespmem:s31+$0x4020] =	vst v56  }
0xba: {  	[tilespmem:s31+$0x5020] =	vst v55  }
0xbb: {  	[tilespmem:v50+s9+$0x0] =	vst.idx.add.s32.msk $0xff, v6  }
0xbc: {  	[tilespmem:v53+s9+$0x0] =	vst.idx.add.s32.msk $0xff, v6  }
0xbd: {  	s13 =	sshra.s32 s13, $0x2;
	[tilespmem:v55+s9+$0x0] =	vst.idx.add.s32.msk $0xff, v6  }
0xbe: {  	[tilespmem:s13+$0x4000] =	vst v61  }
0xbf: {  	[tilespmem:s13+$0x5000] =	vst v60  }
0xc0: {  	[tilespmem:v60+s9+$0x0] =	vst.idx.add.s32.msk $0xff, v6;
	v7, v8, _ =	vpop (xrf1)  }
0xc1: {  	[tilespmem:s13+$0x4010] =	vst v7  }
0xc2: {  	v7, v62, _ =	vpop (xrf1);
	[tilespmem:s13+$0x5010] =	vst v8  }
0xc3: {  	[tilespmem:s13+$0x4030] =	vst v7  }
0xc4: {  	[tilespmem:s13+$0x5030] =	vst v62  }
0xc5: {  	[tilespmem:v8+s9+$0x0] =	vst.idx.add.s32.msk $0xff, v6;
	v7, v63, _ =	vpop (xrf1)  }
0xc6: {  	[tilespmem:v62+s9+$0x0] =	vst.idx.add.s32.msk $0xff, v6  }
0xc7: {  	[tilespmem:s13+$0x4020] =	vst v7  }
0xc8: {  	[tilespmem:s13+$0x5020] =	vst v63  }
0xc9: {  	[tilespmem:v63+s9+$0x0] =	vst.idx.add.s32.msk $0xff, v6  }
0xca: {  	[hbm4b:s4+s2] =	stream.linear.scatter [tilespmem:s10], [sflag:$0x1], $0x1000, $0x38;
	[tilespmem:$0x6080] =	vst v63  }
0xcb: {  	_ =	swait.ge [sflag:s8], $0x1000  }
0xcc: {  	[sflag:s8] =	ssyncset.done $0x0  }
0xcd: {  	[sflag:s8] =	ssyncadd.s32 $0xFFFFF000  }
0xce: {  	[hbm4b:s5+s2] =	stream.linear.scatter [tilespmem:s11], [sflag:$0x1], $0x1000, $0x38;
	[tilespmem:$0x6080] =	vst v63  }
0xcf: {  	s12 =	sadd.s32 $0x1, s12;
	_ =	swait.ge [sflag:s8], $0x1000  }
0xd0: {  	p0 =	sne.s32 s12, s7;
	[sflag:s8] =	ssyncset.done $0x0  }
.Ltmp1:
0xd1: {  	[sflag:s8] =	ssyncadd.s32 $0xFFFFF000;
	(pc) =	sbr.rel @p0 .LBB2_1-.Ltmp1, $4  }
0xd2: {  	[hbm4b:s6+s2] =	stream.linear.scatter [tilespmem:s9], [sflag:$0x1], $0x40, $0x38;
	[tilespmem:$0x6080] =	vst v63  }
0xd3: {  	_ =	swait.ge [sflag:s8], $0x40  }
0xd4: {  	[sflag:s8] =	ssyncset.done $0x0  }
0xd5: {  	[sflag:s8] =	ssyncadd.s32 $0xFFFFFFC0  }
0xd6: {  	_ =	sfence.sel $0x180000  }
0xd7: {  	[bflag:$0x0] =	sbarrier.arrive $0xFFFF  }
0xd8: {  	p0 =	sne.s32 s1, $0x0;
	_ =	strace $0x90000047  }
0xd9: {  	s0 =	sadd.s32 @!p0 $0x100000, s0;
	[bflag:$0x2] =	sbarrier.arrive $0xFFFF  }
0xda: {  	[sflag:s0] =	ssyncadd.tile.s32 @!p0 $0x1;
	_ =	shalt  }
.Lfunc_end2:
_tile_overlayer_lowered:
.L_overlay_start_2:
0xdb: {  	(tag) =	ssettag $0x2  }
0xdc: {  	s0 =	rddreg [dreg:$0x0];
	s2 =	stileid.u32  }
0xdd: {  	s1 =	rddreg [dreg:$0x1];
	p0 =	sne.s32 s2, $0x0  }
0xde: {  	s3 =	rddreg [dreg:$0x2];
	[bflag:$0x3] =	sbarrier.arrive $0xFFFF;
	s2 =	simm.s32 @!p0 $0x1C01  }
0xdf: {  	[timem:s3], [sflag:s2] =	dma.local @!p0 [hbm:s0], s1  }
0xe0: {  	s0 =	simm.s32 @!p0 $0x1  }
0xe1: {  	_ =	swait.ge @!p0 [sflag:s0], s1  }
0xe2: {  	s1 =	ssub.s32 @!p0 $0x0, s1;
	[sflag:s0] =	ssyncset.done @!p0 $0x0  }
0xe3: {  	[sflag:s0] =	ssyncadd.s32 @!p0 s1  }
0xe4: {  	[bflag:$0x3] =	sbarrier.arrive $0xFFFF  }
0xe5: {  	_ =	shalt  }

</sc_bundles>
